<compile_context>
chip_gen: v7x
topology: tpu7x:2x2x1
jax: 0.10.2.dev20260603
libtpu: 0.0.44.dev20260713+nightly
codegen_flags: <defaults>
</compile_context>

<pallas_src>
import functools

import jax
import jax.numpy as jnp
from jax import lax
from jax.experimental import pallas as pl
from jax.experimental.pallas import tpu as pltpu
from jax.experimental.pallas import tpu_sc as plsc

N_NODES = 10000
N_EDGES = 160000
D_IN = 256
D_OUT = 256
H = 128
NC = 2
NS = 16
CE = 96
CHUNKS = 105
NBUF = 2
PER_TILE = CHUNKS * CE
E_PAD = PER_TILE * NS
NP = N_NODES + 8
NB = 10240
ROWS_PER_TILE = NB // NS


def _sc_scatter_body(tbl, gidx, didx, zrs, out0, out1, acc, gi, di, bufs):
    c = lax.axis_index("c")
    s = lax.axis_index("s")
    w = c * NS + s
    sl = pl.ds(s * ROWS_PER_TILE, ROWS_PER_TILE)
    pltpu.sync_copy(gidx.at[pl.ds(w * PER_TILE, PER_TILE)], gi)
    pltpu.sync_copy(didx.at[s], di)
    pltpu.sync_copy(zrs, acc.at[sl])
    plsc.subcore_barrier()

    for b in range(NBUF):
        rows, gsem = bufs[b]
        pltpu.async_copy(tbl.at[gi.at[pl.ds(b * CE, CE)]], rows, gsem)

    def chunk_group(t, carry):
        for b in range(NBUF):
            rows, gsem = bufs[b]
            j = NBUF * t + b
            pltpu.make_async_copy(tbl.at[gi.at[pl.ds(0, CE)]], rows,
                                  gsem).wait()
            pltpu.sync_copy(rows, acc.at[di.at[j]], add=True)

            @pl.when(j + NBUF < CHUNKS)
            def _(rows=rows, gsem=gsem, j=j):
                pltpu.async_copy(
                    tbl.at[gi.at[pl.ds((j + NBUF) * CE, CE)]], rows, gsem)

        return carry

    lax.fori_loop(0, CHUNKS // NBUF, chunk_group, 0)
    rows, gsem = bufs[(CHUNKS - 1) % NBUF]
    pltpu.make_async_copy(tbl.at[gi.at[pl.ds(0, CE)]], rows, gsem).wait()
    pltpu.sync_copy(rows, acc.at[di.at[CHUNKS - 1]], add=True)
    plsc.subcore_barrier()

    @pl.when(c == 0)
    def _():
        pltpu.sync_copy(acc.at[sl], out0.at[sl])

    @pl.when(c == 1)
    def _():
        pltpu.sync_copy(acc.at[sl], out1.at[sl])


_SCRATCH = [pltpu.VMEM_SHARED((NB, H), jnp.float32),
            pltpu.VMEM((PER_TILE,), jnp.int32),
            pltpu.VMEM((CHUNKS, CE), jnp.int32)]
for _ in range(NBUF):
    _SCRATCH += [pltpu.VMEM((CE, H), jnp.float32),
                 pltpu.SemaphoreType.DMA]


@functools.partial(
    pl.kernel,
    out_type=(
        jax.ShapeDtypeStruct((NB, H), jnp.float32),
        jax.ShapeDtypeStruct((NB, H), jnp.float32),
    ),
    mesh=plsc.VectorSubcoreMesh(core_axis_name="c", subcore_axis_name="s"),
    scratch_types=_SCRATCH,
)
def _sc_scatter(tbl, gidx, didx, zrs, out0, out1, acc, gi, di, *bufflat):
    bufs = tuple(tuple(bufflat[2 * b:2 * b + 2]) for b in range(NBUF))
    _sc_scatter_body(tbl, gidx, didx, zrs, out0, out1, acc, gi, di, bufs)


def _mm_body(h0_ref, h1_ref, x_ref, wl0_ref, wl1_ref, wp_ref, b_ref, o_ref):
    dn = (((1,), (1,)), ((), ()))
    acc = lax.dot_general(h0_ref[...], wl0_ref[...], dn,
                          preferred_element_type=jnp.float32)
    acc += lax.dot_general(h1_ref[...], wl1_ref[...], dn,
                           preferred_element_type=jnp.float32)
    acc += lax.dot_general(x_ref[...], wp_ref[...], dn,
                           preferred_element_type=jnp.float32)
    o_ref[...] = acc + b_ref[...]


def _tc_linear(h0, h1, x, wl0, wl1, wp, b):
    blk = 1000
    return pl.pallas_call(
        _mm_body,
        grid=(N_NODES // blk,),
        in_specs=[
            pl.BlockSpec((blk, H), lambda i: (i, 0)),
            pl.BlockSpec((blk, H), lambda i: (i, 0)),
            pl.BlockSpec((blk, D_IN), lambda i: (i, 0)),
            pl.BlockSpec((D_OUT, H), lambda i: (0, 0)),
            pl.BlockSpec((D_OUT, H), lambda i: (0, 0)),
            pl.BlockSpec((D_OUT, D_IN), lambda i: (0, 0)),
            pl.BlockSpec((1, D_OUT), lambda i: (0, 0)),
        ],
        out_specs=pl.BlockSpec((blk, D_OUT), lambda i: (i, 0)),
        out_shape=jax.ShapeDtypeStruct((N_NODES, D_OUT), jnp.float32),
    )(h0, h1, x, wl0, wl1, wp, b)


def kernel(input_feat, edge_index, W_lin, b_lin, W_loop, b_loop, bias):
    src = edge_index[0].astype(jnp.int32)
    dst = edge_index[1].astype(jnp.int32)
    pad = E_PAD - N_EDGES
    src_p = jnp.concatenate([src, jnp.zeros((pad,), jnp.int32)])
    dst_p = jnp.concatenate([dst, jnp.full((pad,), N_NODES, jnp.int32)])

    tbl = input_feat.reshape(NC * N_NODES, H)

    sp = 2 * src_p.reshape(1, NS, PER_TILE)
    gidx = jnp.concatenate([sp, sp + 1], axis=0).reshape(-1)
    didx = dst_p.reshape(NS, CHUNKS, CE)
    zrs = jnp.zeros((ROWS_PER_TILE, H), jnp.float32)

    h0, h1 = _sc_scatter(tbl, gidx, didx, zrs)

    wl0 = W_lin[:, :H]
    wl1 = W_lin[:, H:]
    b = (b_lin + b_loop + bias).reshape(1, D_OUT)
    return _tc_linear(h0, h1, input_feat, wl0, wl1, W_loop, b)

# --- scband reference (transcript-rebuilt; emitter-appended) ---
"""Pipeline reference for scband-graph-conv-layer-84928683311558 (READ-ONLY COPY).

The authoritative reference and input builder live on the scoring server;
editing this copy changes nothing except your own understanding.
"""

import jax, jax.numpy as jnp
import numpy as np

N_NODES = 10000
N_EDGES = 160000
D_IN = 256
D_OUT = 256


def setup_inputs(seed: int = 0) -> dict:
    key = jax.random.key(seed)
    k1, k2, k3, k4, k5, k6 = jax.random.split(key, 6)
    x = jax.random.normal(k1, (N_NODES, D_IN), dtype=jnp.float32)
    edge_index = jax.random.randint(k2, (2, N_EDGES), 0, N_NODES, dtype=jnp.int64)
    # torch.nn.Linear default init: U(-1/sqrt(fan_in), 1/sqrt(fan_in))
    bound = 1.0 / np.sqrt(D_IN)
    W_lin = jax.random.uniform(k3, (D_OUT, D_IN), minval=-bound, maxval=bound, dtype=jnp.float32)
    b_lin = jax.random.uniform(k4, (D_OUT,), minval=-bound, maxval=bound, dtype=jnp.float32)
    W_loop = jax.random.uniform(k5, (D_OUT, D_IN), minval=-bound, maxval=bound, dtype=jnp.float32)
    b_loop = jax.random.uniform(k6, (D_OUT,), minval=-bound, maxval=bound, dtype=jnp.float32)
    bias = jnp.zeros((D_OUT,), dtype=jnp.float32)
    return {"input_feat": x, "edge_index": edge_index, "W_lin": W_lin, "b_lin": b_lin,
            "W_loop": W_loop, "b_loop": b_loop, "bias": bias}


def reference(input_feat, edge_index, W_lin, b_lin, W_loop, b_loop, bias):
    # DGL update_all(copy_src, sum-aggregate): gather src features, scatter-add to dst nodes
    src = edge_index[0]
    dst = edge_index[1]
    msgs = jnp.take(input_feat, src, axis=0)                      # gather  [E, D_IN]
    hidden_feat = jax.ops.segment_sum(msgs, dst, num_segments=input_feat.shape[0])  # scatter-add [N, D_IN]
    out = hidden_feat @ W_lin.T + b_lin                           # self.linear
    out = out + (input_feat @ W_loop.T + b_loop) + bias           # + self_loop_w + bias
    return out

if __name__ == "__main__":
    import jax
    _d = setup_inputs()
    print(jax.jit(kernel)(*tuple(_d.values())))

</pallas_src>

<mosaic_0001>
#map = affine_map<(d0, d1) -> (0, 0)>
#map1 = affine_map<(d0, d1) -> (0)>
#map2 = affine_map<(d0, d1) -> (0, 0, 0)>
module attributes {stable_mosaic.version = 14 : i64} {
  func.func @_sc_scatter(%arg0: i32, %arg1: i32, %arg2: memref<20000x128xf32, #tpu.memory_space<hbm>>, %arg3: memref<322560xi32, #tpu.memory_space<hbm>>, %arg4: memref<16x105x96xi32, #tpu.memory_space<hbm>>, %arg5: memref<640x128xf32, #tpu.memory_space<hbm>>, %arg6: memref<10240x128xf32, #tpu.memory_space<hbm>>, %arg7: memref<10240x128xf32, #tpu.memory_space<hbm>>, %arg8: memref<10240x128xf32, #tpu.memory_space<vmem_shared>>, %arg9: memref<10080xi32, #tpu.memory_space<vmem>>, %arg10: memref<105x96xi32, #tpu.memory_space<vmem>>, %arg11: memref<96x128xf32, #tpu.memory_space<vmem>>, %arg12: memref<!tpu.dma_semaphore, #tpu.memory_space<semaphore_mem>>, %arg13: memref<96x128xf32, #tpu.memory_space<vmem>>, %arg14: memref<!tpu.dma_semaphore, #tpu.memory_space<semaphore_mem>>) attributes {dimension_semantics = [#tpu.dimension_semantics<core_parallel>, #tpu.dimension_semantics<subcore_parallel>], iteration_bounds = array<i64: 2, 16>, scalar_prefetch = 0 : i64, scratch_operands = 7 : i64, tpu.core_type = #tpu.core_type<sc_vector_subcore>, window_params = [{transform_indices = #map}, {transform_indices = #map1}, {transform_indices = #map2}, {transform_indices = #map}, {transform_indices = #map}, {transform_indices = #map}]} {
    %mul3A = arith.constant 16 : i32
    %mul3A_0 = arith.muli %arg0, %mul3A : i32
    %add3A = arith.addi %mul3A_0, %arg1 : i32
    %mul3A_1 = arith.constant 640 : i32
    %mul3A_2 = arith.muli %arg1, %mul3A_1 : i32
    %mul3A_3 = arith.constant 10080 : i32
    %mul3A_4 = arith.muli %add3A, %mul3A_3 : i32
    "tpu.region"() ({
      %run_scoped3A_31 = tpu.sem_alloc : memref<!tpu.dma_semaphore, #tpu.memory_space<semaphore_mem>>
      %dma_start3A_32 = tpu.memref_slice %arg3[%mul3A_4] : memref<322560xi32, #tpu.memory_space<hbm>> -> memref<10080xi32, #tpu.memory_space<hbm>>
      %dma_start3A_33 = tpu.memref_slice %arg3[%mul3A_4] : memref<322560xi32, #tpu.memory_space<hbm>> -> memref<10080xi32, #tpu.memory_space<hbm>>
      tpu.enqueue_dma source(%dma_start3A_33 : memref<10080xi32, #tpu.memory_space<hbm>>) target(%arg9 : memref<10080xi32, #tpu.memory_space<vmem>>) target_semaphore(%run_scoped3A_31 : memref<!tpu.dma_semaphore, #tpu.memory_space<semaphore_mem>>)
      %dma_wait3A_34 = tpu.memref_slice %arg3[%mul3A_4] : memref<322560xi32, #tpu.memory_space<hbm>> -> memref<10080xi32, #tpu.memory_space<hbm>>
      %dma_wait3A_35 = tpu.memref_slice %arg3[%mul3A_4] : memref<322560xi32, #tpu.memory_space<hbm>> -> memref<10080xi32, #tpu.memory_space<hbm>>
      tpu.wait_dma2 semaphore(%run_scoped3A_31 : memref<!tpu.dma_semaphore, #tpu.memory_space<semaphore_mem>>) src(%dma_wait3A_35 : memref<10080xi32, #tpu.memory_space<hbm>>) dst(%arg9 : memref<10080xi32, #tpu.memory_space<vmem>>)
      tpu.yield
    }) : () -> ()
    "tpu.region"() ({
      %run_scoped3A_31 = tpu.sem_alloc : memref<!tpu.dma_semaphore, #tpu.memory_space<semaphore_mem>>
      %dma_start3A_32 = arith.constant 0 : i32
      %dma_start3A_33 = arith.constant 0 : i32
      %dma_start3A_34 = tpu.memref_slice %arg4[%arg1, %dma_start3A_32, %dma_start3A_33] : memref<16x105x96xi32, #tpu.memory_space<hbm>> -> memref<1x105x96xi32, #tpu.memory_space<hbm>>
      %dma_start3A_35 = tpu.memref_squeeze %dma_start3A_34 : memref<1x105x96xi32, #tpu.memory_space<hbm>> -> memref<105x96xi32, #tpu.memory_space<hbm>>
      %dma_start3A_36 = arith.constant 0 : i32
      %dma_start3A_37 = arith.constant 0 : i32
      %dma_start3A_38 = tpu.memref_slice %arg4[%arg1, %dma_start3A_36, %dma_start3A_37] : memref<16x105x96xi32, #tpu.memory_space<hbm>> -> memref<1x105x96xi32, #tpu.memory_space<hbm>>
      %dma_start3A_39 = tpu.memref_squeeze %dma_start3A_38 : memref<1x105x96xi32, #tpu.memory_space<hbm>> -> memref<105x96xi32, #tpu.memory_space<hbm>>
      tpu.enqueue_dma source(%dma_start3A_39 : memref<105x96xi32, #tpu.memory_space<hbm>>) target(%arg10 : memref<105x96xi32, #tpu.memory_space<vmem>>) target_semaphore(%run_scoped3A_31 : memref<!tpu.dma_semaphore, #tpu.memory_space<semaphore_mem>>)
      %dma_wait3A_40 = arith.constant 0 : i32
      %dma_wait3A_41 = arith.constant 0 : i32
      %dma_wait3A_42 = tpu.memref_slice %arg4[%arg1, %dma_wait3A_40, %dma_wait3A_41] : memref<16x105x96xi32, #tpu.memory_space<hbm>> -> memref<1x105x96xi32, #tpu.memory_space<hbm>>
      %dma_wait3A_43 = tpu.memref_squeeze %dma_wait3A_42 : memref<1x105x96xi32, #tpu.memory_space<hbm>> -> memref<105x96xi32, #tpu.memory_space<hbm>>
      %dma_wait3A_44 = arith.constant 0 : i32
      %dma_wait3A_45 = arith.constant 0 : i32
      %dma_wait3A_46 = tpu.memref_slice %arg4[%arg1, %dma_wait3A_44, %dma_wait3A_45] : memref<16x105x96xi32, #tpu.memory_space<hbm>> -> memref<1x105x96xi32, #tpu.memory_space<hbm>>
      %dma_wait3A_47 = tpu.memref_squeeze %dma_wait3A_46 : memref<1x105x96xi32, #tpu.memory_space<hbm>> -> memref<105x96xi32, #tpu.memory_space<hbm>>
      tpu.wait_dma2 semaphore(%run_scoped3A_31 : memref<!tpu.dma_semaphore, #tpu.memory_space<semaphore_mem>>) src(%dma_wait3A_47 : memref<105x96xi32, #tpu.memory_space<hbm>>) dst(%arg10 : memref<105x96xi32, #tpu.memory_space<vmem>>)
      tpu.yield
    }) : () -> ()
    "tpu.region"() ({
      %run_scoped3A_31 = tpu.sem_alloc : memref<!tpu.dma_semaphore, #tpu.memory_space<semaphore_mem>>
      %dma_start3A_32 = arith.constant 0 : i32
      %dma_start3A_33 = tpu.memref_slice %arg8[%mul3A_2, %dma_start3A_32] : memref<10240x128xf32, #tpu.memory_space<vmem_shared>> -> memref<640x128xf32, #tpu.memory_space<vmem_shared>>
      tpu.enqueue_dma source(%arg5 : memref<640x128xf32, #tpu.memory_space<hbm>>) target(%dma_start3A_33 : memref<640x128xf32, #tpu.memory_space<vmem_shared>>) target_semaphore(%run_scoped3A_31 : memref<!tpu.dma_semaphore, #tpu.memory_space<semaphore_mem>>)
      %dma_wait3A_34 = arith.constant 0 : i32
      %dma_wait3A_35 = tpu.memref_slice %arg8[%mul3A_2, %dma_wait3A_34] : memref<10240x128xf32, #tpu.memory_space<vmem_shared>> -> memref<640x128xf32, #tpu.memory_space<vmem_shared>>
      tpu.wait_dma2 semaphore(%run_scoped3A_31 : memref<!tpu.dma_semaphore, #tpu.memory_space<semaphore_mem>>) src(%arg5 : memref<640x128xf32, #tpu.memory_space<hbm>>) dst(%dma_wait3A_35 : memref<640x128xf32, #tpu.memory_space<vmem_shared>>)
      tpu.yield
    }) : () -> ()
    %barrier3A = arith.constant 0 : index
    tpu.barrier barrier_id(%barrier3A)
    %dma_start3A = arith.constant 0 : i32
    %dma_start3A_5 = tpu.memref_slice %arg9[%dma_start3A] : memref<10080xi32, #tpu.memory_space<vmem>> -> memref<96xi32, #tpu.memory_space<vmem>>
    %dma_start3A_6 = arith.constant 0 : i32
    %dma_start3A_7 = arith.constant 0 : i32
    %dma_start3A_8 = tpu.memref_slice %arg2[%dma_start3A_6, %dma_start3A_7] : memref<20000x128xf32, #tpu.memory_space<hbm>> -> memref<20000x128xf32, #tpu.memory_space<hbm>>
    tpu.enqueue_indirect_dma source(%dma_start3A_8 : memref<20000x128xf32, #tpu.memory_space<hbm>>) target(%arg11 : memref<96x128xf32, #tpu.memory_space<vmem>>) offsets(%dma_start3A_5 : memref<96xi32, #tpu.memory_space<vmem>>) semaphore(%arg12 : memref<!tpu.dma_semaphore, #tpu.memory_space<semaphore_mem>>)
    %dma_start3A_9 = arith.constant 96 : i32
    %dma_start3A_10 = tpu.memref_slice %arg9[%dma_start3A_9] : memref<10080xi32, #tpu.memory_space<vmem>> -> memref<96xi32, #tpu.memory_space<vmem>>
    %dma_start3A_11 = arith.constant 0 : i32
    %dma_start3A_12 = arith.constant 0 : i32
    %dma_start3A_13 = tpu.memref_slice %arg2[%dma_start3A_11, %dma_start3A_12] : memref<20000x128xf32, #tpu.memory_space<hbm>> -> memref<20000x128xf32, #tpu.memory_space<hbm>>
    tpu.enqueue_indirect_dma source(%dma_start3A_13 : memref<20000x128xf32, #tpu.memory_space<hbm>>) target(%arg13 : memref<96x128xf32, #tpu.memory_space<vmem>>) offsets(%dma_start3A_10 : memref<96xi32, #tpu.memory_space<vmem>>) semaphore(%arg14 : memref<!tpu.dma_semaphore, #tpu.memory_space<semaphore_mem>>)
    %scan3A = arith.constant 0 : i32
    %scan3A_14 = arith.constant 0 : i32
    %scan3A_15 = arith.constant 52 : i32
    %scan3A_16 = arith.addi %scan3A_14, %scan3A_15 : i32
    %scan3A_17 = arith.constant 1 : i32
    scf.for %scan3A_31 = %scan3A_14 to %scan3A_16 step %scan3A_17  : i32 {
      %mul3A_32 = arith.constant 2 : i32
      %mul3A_33 = arith.muli %mul3A_32, %scan3A_31 : i32
      %add3A_34 = arith.constant 0 : i32
      %add3A_35 = arith.addi %mul3A_33, %add3A_34 : i32
      %dma_wait3A_36 = arith.constant 0 : i32
      %dma_wait3A_37 = tpu.memref_slice %arg9[%dma_wait3A_36] : memref<10080xi32, #tpu.memory_space<vmem>> -> memref<96xi32, #tpu.memory_space<vmem>>
      %dma_wait3A_38 = arith.constant 0 : i32
      %dma_wait3A_39 = arith.constant 0 : i32
      %dma_wait3A_40 = tpu.memref_slice %arg2[%dma_wait3A_38, %dma_wait3A_39] : memref<20000x128xf32, #tpu.memory_space<hbm>> -> memref<20000x128xf32, #tpu.memory_space<hbm>>
      tpu.wait_indirect_dma semaphore(%arg12 : memref<!tpu.dma_semaphore, #tpu.memory_space<semaphore_mem>>) src(%dma_wait3A_40 : memref<20000x128xf32, #tpu.memory_space<hbm>>) dst(%arg11 : memref<96x128xf32, #tpu.memory_space<vmem>>)
      "tpu.region"() ({
        %run_scoped3A_63 = tpu.sem_alloc : memref<!tpu.dma_semaphore, #tpu.memory_space<semaphore_mem>>
        %dma_start3A_64 = arith.constant 0 : i32
        %dma_start3A_65 = tpu.memref_slice %arg10[%add3A_35, %dma_start3A_64] : memref<105x96xi32, #tpu.memory_space<vmem>> -> memref<1x96xi32, #tpu.memory_space<vmem>>
        %dma_start3A_66 = tpu.memref_squeeze %dma_start3A_65 : memref<1x96xi32, #tpu.memory_space<vmem>> -> memref<96xi32, #tpu.memory_space<vmem>>
        %dma_start3A_67 = arith.constant 0 : i32
        %dma_start3A_68 = arith.constant 0 : i32
        %dma_start3A_69 = tpu.memref_slice %arg8[%dma_start3A_67, %dma_start3A_68] : memref<10240x128xf32, #tpu.memory_space<vmem_shared>> -> memref<10240x128xf32, #tpu.memory_space<vmem_shared>>
        tpu.enqueue_indirect_dma source(%arg11 : memref<96x128xf32, #tpu.memory_space<vmem>>) target(%dma_start3A_69 : memref<10240x128xf32, #tpu.memory_space<vmem_shared>>) offsets(%dma_start3A_66 : memref<96xi32, #tpu.memory_space<vmem>>) semaphore(%run_scoped3A_63 : memref<!tpu.dma_semaphore, #tpu.memory_space<semaphore_mem>>) {add = true}
        %dma_wait3A_70 = arith.constant 0 : i32
        %dma_wait3A_71 = tpu.memref_slice %arg10[%add3A_35, %dma_wait3A_70] : memref<105x96xi32, #tpu.memory_space<vmem>> -> memref<1x96xi32, #tpu.memory_space<vmem>>
        %dma_wait3A_72 = tpu.memref_squeeze %dma_wait3A_71 : memref<1x96xi32, #tpu.memory_space<vmem>> -> memref<96xi32, #tpu.memory_space<vmem>>
        %dma_wait3A_73 = arith.constant 0 : i32
        %dma_wait3A_74 = arith.constant 0 : i32
        %dma_wait3A_75 = tpu.memref_slice %arg8[%dma_wait3A_73, %dma_wait3A_74] : memref<10240x128xf32, #tpu.memory_space<vmem_shared>> -> memref<10240x128xf32, #tpu.memory_space<vmem_shared>>
        tpu.wait_indirect_dma semaphore(%run_scoped3A_63 : memref<!tpu.dma_semaphore, #tpu.memory_space<semaphore_mem>>) src(%arg11 : memref<96x128xf32, #tpu.memory_space<vmem>>) dst(%dma_wait3A_75 : memref<10240x128xf32, #tpu.memory_space<vmem_shared>>)
        tpu.yield
      }) : () -> ()
      %add3A_41 = arith.constant 2 : i32
      %add3A_42 = arith.addi %add3A_35, %add3A_41 : i32
      %lt3A = arith.constant 105 : i32
      %lt3A_43 = arith.cmpi slt, %add3A_42, %lt3A : i32
      %convert_element_type3A_44 = arith.extui %lt3A_43 : i1 to i32
      %cond3A_45 = arith.constant 0 : i32
      %cond3A_46 = arith.cmpi ne, %convert_element_type3A_44, %cond3A_45 : i32
      scf.if %cond3A_46 {
        %add3A_63 = arith.constant 2 : i32
        %add3A_64 = arith.addi %add3A_35, %add3A_63 : i32
        %mul3A_65 = arith.constant 96 : i32
        %mul3A_66 = arith.muli %add3A_64, %mul3A_65 : i32
        %dma_start3A_67 = tpu.memref_slice %arg9[%mul3A_66] : memref<10080xi32, #tpu.memory_space<vmem>> -> memref<96xi32, #tpu.memory_space<vmem>>
        %dma_start3A_68 = arith.constant 0 : i32
        %dma_start3A_69 = arith.constant 0 : i32
        %dma_start3A_70 = tpu.memref_slice %arg2[%dma_start3A_68, %dma_start3A_69] : memref<20000x128xf32, #tpu.memory_space<hbm>> -> memref<20000x128xf32, #tpu.memory_space<hbm>>
        tpu.enqueue_indirect_dma source(%dma_start3A_70 : memref<20000x128xf32, #tpu.memory_space<hbm>>) target(%arg11 : memref<96x128xf32, #tpu.memory_space<vmem>>) offsets(%dma_start3A_67 : memref<96xi32, #tpu.memory_space<vmem>>) semaphore(%arg12 : memref<!tpu.dma_semaphore, #tpu.memory_space<semaphore_mem>>)
      } else {
      }
      %mul3A_47 = arith.constant 2 : i32
      %mul3A_48 = arith.muli %mul3A_47, %scan3A_31 : i32
      %add3A_49 = arith.constant 1 : i32
      %add3A_50 = arith.addi %mul3A_48, %add3A_49 : i32
      %dma_wait3A_51 = arith.constant 0 : i32
      %dma_wait3A_52 = tpu.memref_slice %arg9[%dma_wait3A_51] : memref<10080xi32, #tpu.memory_space<vmem>> -> memref<96xi32, #tpu.memory_space<vmem>>
      %dma_wait3A_53 = arith.constant 0 : i32
      %dma_wait3A_54 = arith.constant 0 : i32
      %dma_wait3A_55 = tpu.memref_slice %arg2[%dma_wait3A_53, %dma_wait3A_54] : memref<20000x128xf32, #tpu.memory_space<hbm>> -> memref<20000x128xf32, #tpu.memory_space<hbm>>
      tpu.wait_indirect_dma semaphore(%arg14 : memref<!tpu.dma_semaphore, #tpu.memory_space<semaphore_mem>>) src(%dma_wait3A_55 : memref<20000x128xf32, #tpu.memory_space<hbm>>) dst(%arg13 : memref<96x128xf32, #tpu.memory_space<vmem>>)
      "tpu.region"() ({
        %run_scoped3A_63 = tpu.sem_alloc : memref<!tpu.dma_semaphore, #tpu.memory_space<semaphore_mem>>
        %dma_start3A_64 = arith.constant 0 : i32
        %dma_start3A_65 = tpu.memref_slice %arg10[%add3A_50, %dma_start3A_64] : memref<105x96xi32, #tpu.memory_space<vmem>> -> memref<1x96xi32, #tpu.memory_space<vmem>>
        %dma_start3A_66 = tpu.memref_squeeze %dma_start3A_65 : memref<1x96xi32, #tpu.memory_space<vmem>> -> memref<96xi32, #tpu.memory_space<vmem>>
        %dma_start3A_67 = arith.constant 0 : i32
        %dma_start3A_68 = arith.constant 0 : i32
        %dma_start3A_69 = tpu.memref_slice %arg8[%dma_start3A_67, %dma_start3A_68] : memref<10240x128xf32, #tpu.memory_space<vmem_shared>> -> memref<10240x128xf32, #tpu.memory_space<vmem_shared>>
        tpu.enqueue_indirect_dma source(%arg13 : memref<96x128xf32, #tpu.memory_space<vmem>>) target(%dma_start3A_69 : memref<10240x128xf32, #tpu.memory_space<vmem_shared>>) offsets(%dma_start3A_66 : memref<96xi32, #tpu.memory_space<vmem>>) semaphore(%run_scoped3A_63 : memref<!tpu.dma_semaphore, #tpu.memory_space<semaphore_mem>>) {add = true}
        %dma_wait3A_70 = arith.constant 0 : i32
        %dma_wait3A_71 = tpu.memref_slice %arg10[%add3A_50, %dma_wait3A_70] : memref<105x96xi32, #tpu.memory_space<vmem>> -> memref<1x96xi32, #tpu.memory_space<vmem>>
        %dma_wait3A_72 = tpu.memref_squeeze %dma_wait3A_71 : memref<1x96xi32, #tpu.memory_space<vmem>> -> memref<96xi32, #tpu.memory_space<vmem>>
        %dma_wait3A_73 = arith.constant 0 : i32
        %dma_wait3A_74 = arith.constant 0 : i32
        %dma_wait3A_75 = tpu.memref_slice %arg8[%dma_wait3A_73, %dma_wait3A_74] : memref<10240x128xf32, #tpu.memory_space<vmem_shared>> -> memref<10240x128xf32, #tpu.memory_space<vmem_shared>>
        tpu.wait_indirect_dma semaphore(%run_scoped3A_63 : memref<!tpu.dma_semaphore, #tpu.memory_space<semaphore_mem>>) src(%arg13 : memref<96x128xf32, #tpu.memory_space<vmem>>) dst(%dma_wait3A_75 : memref<10240x128xf32, #tpu.memory_space<vmem_shared>>)
        tpu.yield
      }) : () -> ()
      %add3A_56 = arith.constant 2 : i32
      %add3A_57 = arith.addi %add3A_50, %add3A_56 : i32
      %lt3A_58 = arith.constant 105 : i32
      %lt3A_59 = arith.cmpi slt, %add3A_57, %lt3A_58 : i32
      %convert_element_type3A_60 = arith.extui %lt3A_59 : i1 to i32
      %cond3A_61 = arith.constant 0 : i32
      %cond3A_62 = arith.cmpi ne, %convert_element_type3A_60, %cond3A_61 : i32
      scf.if %cond3A_62 {
        %add3A_63 = arith.constant 2 : i32
        %add3A_64 = arith.addi %add3A_50, %add3A_63 : i32
        %mul3A_65 = arith.constant 96 : i32
        %mul3A_66 = arith.muli %add3A_64, %mul3A_65 : i32
        %dma_start3A_67 = tpu.memref_slice %arg9[%mul3A_66] : memref<10080xi32, #tpu.memory_space<vmem>> -> memref<96xi32, #tpu.memory_space<vmem>>
        %dma_start3A_68 = arith.constant 0 : i32
        %dma_start3A_69 = arith.constant 0 : i32
        %dma_start3A_70 = tpu.memref_slice %arg2[%dma_start3A_68, %dma_start3A_69] : memref<20000x128xf32, #tpu.memory_space<hbm>> -> memref<20000x128xf32, #tpu.memory_space<hbm>>
        tpu.enqueue_indirect_dma source(%dma_start3A_70 : memref<20000x128xf32, #tpu.memory_space<hbm>>) target(%arg13 : memref<96x128xf32, #tpu.memory_space<vmem>>) offsets(%dma_start3A_67 : memref<96xi32, #tpu.memory_space<vmem>>) semaphore(%arg14 : memref<!tpu.dma_semaphore, #tpu.memory_space<semaphore_mem>>)
      } else {
      }
    }
    %scan3A_18 = arith.constant 52 : i32
    %dma_wait3A = arith.constant 0 : i32
    %dma_wait3A_19 = tpu.memref_slice %arg9[%dma_wait3A] : memref<10080xi32, #tpu.memory_space<vmem>> -> memref<96xi32, #tpu.memory_space<vmem>>
    %dma_wait3A_20 = arith.constant 0 : i32
    %dma_wait3A_21 = arith.constant 0 : i32
    %dma_wait3A_22 = tpu.memref_slice %arg2[%dma_wait3A_20, %dma_wait3A_21] : memref<20000x128xf32, #tpu.memory_space<hbm>> -> memref<20000x128xf32, #tpu.memory_space<hbm>>
    tpu.wait_indirect_dma semaphore(%arg12 : memref<!tpu.dma_semaphore, #tpu.memory_space<semaphore_mem>>) src(%dma_wait3A_22 : memref<20000x128xf32, #tpu.memory_space<hbm>>) dst(%arg11 : memref<96x128xf32, #tpu.memory_space<vmem>>)
    %run_scoped3A = arith.constant 104 : i32
    "tpu.region"() ({
      %run_scoped3A_31 = tpu.sem_alloc : memref<!tpu.dma_semaphore, #tpu.memory_space<semaphore_mem>>
      %dma_start3A_32 = arith.constant 0 : i32
      %dma_start3A_33 = tpu.memref_slice %arg10[%run_scoped3A, %dma_start3A_32] : memref<105x96xi32, #tpu.memory_space<vmem>> -> memref<1x96xi32, #tpu.memory_space<vmem>>
      %dma_start3A_34 = tpu.memref_squeeze %dma_start3A_33 : memref<1x96xi32, #tpu.memory_space<vmem>> -> memref<96xi32, #tpu.memory_space<vmem>>
      %dma_start3A_35 = arith.constant 0 : i32
      %dma_start3A_36 = arith.constant 0 : i32
      %dma_start3A_37 = tpu.memref_slice %arg8[%dma_start3A_35, %dma_start3A_36] : memref<10240x128xf32, #tpu.memory_space<vmem_shared>> -> memref<10240x128xf32, #tpu.memory_space<vmem_shared>>
      tpu.enqueue_indirect_dma source(%arg11 : memref<96x128xf32, #tpu.memory_space<vmem>>) target(%dma_start3A_37 : memref<10240x128xf32, #tpu.memory_space<vmem_shared>>) offsets(%dma_start3A_34 : memref<96xi32, #tpu.memory_space<vmem>>) semaphore(%run_scoped3A_31 : memref<!tpu.dma_semaphore, #tpu.memory_space<semaphore_mem>>) {add = true}
      %dma_wait3A_38 = arith.constant 0 : i32
      %dma_wait3A_39 = tpu.memref_slice %arg10[%run_scoped3A, %dma_wait3A_38] : memref<105x96xi32, #tpu.memory_space<vmem>> -> memref<1x96xi32, #tpu.memory_space<vmem>>
      %dma_wait3A_40 = tpu.memref_squeeze %dma_wait3A_39 : memref<1x96xi32, #tpu.memory_space<vmem>> -> memref<96xi32, #tpu.memory_space<vmem>>
      %dma_wait3A_41 = arith.constant 0 : i32
      %dma_wait3A_42 = arith.constant 0 : i32
      %dma_wait3A_43 = tpu.memref_slice %arg8[%dma_wait3A_41, %dma_wait3A_42] : memref<10240x128xf32, #tpu.memory_space<vmem_shared>> -> memref<10240x128xf32, #tpu.memory_space<vmem_shared>>
      tpu.wait_indirect_dma semaphore(%run_scoped3A_31 : memref<!tpu.dma_semaphore, #tpu.memory_space<semaphore_mem>>) src(%arg11 : memref<96x128xf32, #tpu.memory_space<vmem>>) dst(%dma_wait3A_43 : memref<10240x128xf32, #tpu.memory_space<vmem_shared>>)
      tpu.yield
    }) : () -> ()
    %barrier3A_23 = arith.constant 0 : index
    tpu.barrier barrier_id(%barrier3A_23)
    %eq3A = arith.constant 0 : i32
    %eq3A_24 = arith.cmpi eq, %arg0, %eq3A : i32
    %convert_element_type3A = arith.extui %eq3A_24 : i1 to i32
    %cond3A = arith.constant 0 : i32
    %cond3A_25 = arith.cmpi ne, %convert_element_type3A, %cond3A : i32
    scf.if %cond3A_25 {
      "tpu.region"() ({
        %run_scoped3A_31 = tpu.sem_alloc : memref<!tpu.dma_semaphore, #tpu.memory_space<semaphore_mem>>
        %dma_start3A_32 = arith.constant 0 : i32
        %dma_start3A_33 = tpu.memref_slice %arg6[%mul3A_2, %dma_start3A_32] : memref<10240x128xf32, #tpu.memory_space<hbm>> -> memref<640x128xf32, #tpu.memory_space<hbm>>
        %dma_start3A_34 = arith.constant 0 : i32
        %dma_start3A_35 = tpu.memref_slice %arg8[%mul3A_2, %dma_start3A_34] : memref<10240x128xf32, #tpu.memory_space<vmem_shared>> -> memref<640x128xf32, #tpu.memory_space<vmem_shared>>
        tpu.enqueue_dma source(%dma_start3A_35 : memref<640x128xf32, #tpu.memory_space<vmem_shared>>) target(%dma_start3A_33 : memref<640x128xf32, #tpu.memory_space<hbm>>) target_semaphore(%run_scoped3A_31 : memref<!tpu.dma_semaphore, #tpu.memory_space<semaphore_mem>>)
        %dma_wait3A_36 = arith.constant 0 : i32
        %dma_wait3A_37 = tpu.memref_slice %arg6[%mul3A_2, %dma_wait3A_36] : memref<10240x128xf32, #tpu.memory_space<hbm>> -> memref<640x128xf32, #tpu.memory_space<hbm>>
        %dma_wait3A_38 = arith.constant 0 : i32
        %dma_wait3A_39 = tpu.memref_slice %arg8[%mul3A_2, %dma_wait3A_38] : memref<10240x128xf32, #tpu.memory_space<vmem_shared>> -> memref<640x128xf32, #tpu.memory_space<vmem_shared>>
        tpu.wait_dma2 semaphore(%run_scoped3A_31 : memref<!tpu.dma_semaphore, #tpu.memory_space<semaphore_mem>>) src(%dma_wait3A_39 : memref<640x128xf32, #tpu.memory_space<vmem_shared>>) dst(%dma_wait3A_37 : memref<640x128xf32, #tpu.memory_space<hbm>>)
        tpu.yield
      }) : () -> ()
    } else {
    }
    %eq3A_26 = arith.constant 1 : i32
    %eq3A_27 = arith.cmpi eq, %arg0, %eq3A_26 : i32
    %convert_element_type3A_28 = arith.extui %eq3A_27 : i1 to i32
    %cond3A_29 = arith.constant 0 : i32
    %cond3A_30 = arith.cmpi ne, %convert_element_type3A_28, %cond3A_29 : i32
    scf.if %cond3A_30 {
      "tpu.region"() ({
        %run_scoped3A_31 = tpu.sem_alloc : memref<!tpu.dma_semaphore, #tpu.memory_space<semaphore_mem>>
        %dma_start3A_32 = arith.constant 0 : i32
        %dma_start3A_33 = tpu.memref_slice %arg7[%mul3A_2, %dma_start3A_32] : memref<10240x128xf32, #tpu.memory_space<hbm>> -> memref<640x128xf32, #tpu.memory_space<hbm>>
        %dma_start3A_34 = arith.constant 0 : i32
        %dma_start3A_35 = tpu.memref_slice %arg8[%mul3A_2, %dma_start3A_34] : memref<10240x128xf32, #tpu.memory_space<vmem_shared>> -> memref<640x128xf32, #tpu.memory_space<vmem_shared>>
        tpu.enqueue_dma source(%dma_start3A_35 : memref<640x128xf32, #tpu.memory_space<vmem_shared>>) target(%dma_start3A_33 : memref<640x128xf32, #tpu.memory_space<hbm>>) target_semaphore(%run_scoped3A_31 : memref<!tpu.dma_semaphore, #tpu.memory_space<semaphore_mem>>)
        %dma_wait3A_36 = arith.constant 0 : i32
        %dma_wait3A_37 = tpu.memref_slice %arg7[%mul3A_2, %dma_wait3A_36] : memref<10240x128xf32, #tpu.memory_space<hbm>> -> memref<640x128xf32, #tpu.memory_space<hbm>>
        %dma_wait3A_38 = arith.constant 0 : i32
        %dma_wait3A_39 = tpu.memref_slice %arg8[%mul3A_2, %dma_wait3A_38] : memref<10240x128xf32, #tpu.memory_space<vmem_shared>> -> memref<640x128xf32, #tpu.memory_space<vmem_shared>>
        tpu.wait_dma2 semaphore(%run_scoped3A_31 : memref<!tpu.dma_semaphore, #tpu.memory_space<semaphore_mem>>) src(%dma_wait3A_39 : memref<640x128xf32, #tpu.memory_space<vmem_shared>>) dst(%dma_wait3A_37 : memref<640x128xf32, #tpu.memory_space<hbm>>)
        tpu.yield
      }) : () -> ()
    } else {
    }
    return
  }
}

module attributes {stable_mosaic.version = 14 : i64} {
  func.func @_mm_body(%arg0: i32, %arg1: memref<1000x128xf32, #tpu.memory_space<vmem>>, %arg2: memref<1000x128xf32, #tpu.memory_space<vmem>>, %arg3: memref<1000x256xf32, #tpu.memory_space<vmem>>, %arg4: memref<256x128xf32, #tpu.memory_space<vmem>>, %arg5: memref<256x128xf32, #tpu.memory_space<vmem>>, %arg6: memref<256x256xf32, #tpu.memory_space<vmem>>, %arg7: memref<1x256xf32, #tpu.memory_space<vmem>>, %arg8: memref<1000x256xf32, #tpu.memory_space<vmem>>) attributes {dimension_semantics = [#tpu.dimension_semantics<arbitrary>], iteration_bounds = array<i64: 10>, scalar_prefetch = 0 : i64, scratch_operands = 0 : i64, tpu.core_type = #tpu.core_type<tc>, window_params = [{transform_indices = @transform_0, window_bounds = array<i64: 1000, 128>}, {transform_indices = @transform_1, window_bounds = array<i64: 1000, 128>}, {transform_indices = @transform_2, window_bounds = array<i64: 1000, 256>}, {pipeline_mode = #tpu.pipeline_mode<synchronous>, transform_indices = @transform_3, window_bounds = array<i64: 256, 128>}, {pipeline_mode = #tpu.pipeline_mode<synchronous>, transform_indices = @transform_4, window_bounds = array<i64: 256, 128>}, {pipeline_mode = #tpu.pipeline_mode<synchronous>, transform_indices = @transform_5, window_bounds = array<i64: 256, 256>}, {pipeline_mode = #tpu.pipeline_mode<synchronous>, transform_indices = @transform_6, window_bounds = array<i64: 1, 256>}, {transform_indices = @transform_7, window_bounds = array<i64: 1000, 256>}]} {
    %get3A = arith.constant 0 : index
    %get3A_0 = arith.constant 0 : index
    %get3A_1 = vector.load %arg1[%get3A, %get3A_0] : memref<1000x128xf32, #tpu.memory_space<vmem>>, vector<1000x128xf32>
    %get3A_2 = arith.constant 0 : index
    %get3A_3 = arith.constant 0 : index
    %get3A_4 = vector.load %arg4[%get3A_2, %get3A_3] : memref<256x128xf32, #tpu.memory_space<vmem>>, vector<256x128xf32>
    %dot_general3A = arith.constant dense<0.000000e+00> : vector<1000x256xf32>
    %dot_general3A_5 = tpu.matmul %get3A_1, %get3A_4, %dot_general3A {dimension_numbers = #tpu.dot_dimension_numbers<[1], [1], [0], [0], [0, 0, 1, 0], [], []>, transpose_lhs_hint = false} : vector<1000x128xf32>, vector<256x128xf32>, vector<1000x256xf32> -> vector<1000x256xf32>
    %get3A_6 = arith.constant 0 : index
    %get3A_7 = arith.constant 0 : index
    %get3A_8 = vector.load %arg2[%get3A_6, %get3A_7] : memref<1000x128xf32, #tpu.memory_space<vmem>>, vector<1000x128xf32>
    %get3A_9 = arith.constant 0 : index
    %get3A_10 = arith.constant 0 : index
    %get3A_11 = vector.load %arg5[%get3A_9, %get3A_10] : memref<256x128xf32, #tpu.memory_space<vmem>>, vector<256x128xf32>
    %dot_general3A_12 = arith.constant dense<0.000000e+00> : vector<1000x256xf32>
    %dot_general3A_13 = tpu.matmul %get3A_8, %get3A_11, %dot_general3A_12 {dimension_numbers = #tpu.dot_dimension_numbers<[1], [1], [0], [0], [0, 0, 1, 0], [], []>, transpose_lhs_hint = false} : vector<1000x128xf32>, vector<256x128xf32>, vector<1000x256xf32> -> vector<1000x256xf32>
    %add3A = arith.addf %dot_general3A_5, %dot_general3A_13 : vector<1000x256xf32>
    %get3A_14 = arith.constant 0 : index
    %get3A_15 = arith.constant 0 : index
    %get3A_16 = vector.load %arg3[%get3A_14, %get3A_15] : memref<1000x256xf32, #tpu.memory_space<vmem>>, vector<1000x256xf32>
    %get3A_17 = arith.constant 0 : index
    %get3A_18 = arith.constant 0 : index
    %get3A_19 = vector.load %arg6[%get3A_17, %get3A_18] : memref<256x256xf32, #tpu.memory_space<vmem>>, vector<256x256xf32>
    %dot_general3A_20 = arith.constant dense<0.000000e+00> : vector<1000x256xf32>
    %dot_general3A_21 = tpu.matmul %get3A_16, %get3A_19, %dot_general3A_20 {dimension_numbers = #tpu.dot_dimension_numbers<[1], [1], [0], [0], [0, 0, 1, 0], [], []>, transpose_lhs_hint = false} : vector<1000x256xf32>, vector<256x256xf32>, vector<1000x256xf32> -> vector<1000x256xf32>
    %add3A_22 = arith.addf %add3A, %dot_general3A_21 : vector<1000x256xf32>
    %get3A_23 = arith.constant 0 : index
    %get3A_24 = arith.constant 0 : index
    %get3A_25 = vector.load %arg7[%get3A_23, %get3A_24] : memref<1x256xf32, #tpu.memory_space<vmem>>, vector<1x256xf32>
    %add3A_26 = vector.broadcast %get3A_25 : vector<1x256xf32> to vector<1000x256xf32>
    %add3A_27 = arith.addf %add3A_22, %add3A_26 : vector<1000x256xf32>
    %swap3A = arith.constant 0 : index
    %swap3A_28 = arith.constant 0 : index
    %swap3A_29 = vector.load %arg8[%swap3A, %swap3A_28] : memref<1000x256xf32, #tpu.memory_space<vmem>>, vector<1000x256xf32>
    tpu.vector_store %arg8[%swap3A, %swap3A_28], %add3A_27 {strides = array<i32>} : memref<1000x256xf32, #tpu.memory_space<vmem>>, vector<1000x256xf32>,
    return
  }
  func.func @transform_0(%arg0: i32) -> (i32, i32) {
    %c0_i32 = arith.constant 0 : i32
    %c0_i32_0 = arith.constant 0 : i32
    return %arg0, %c0_i32 : i32, i32
  }
  func.func @transform_1(%arg0: i32) -> (i32, i32) {
    %c0_i32 = arith.constant 0 : i32
    %c0_i32_0 = arith.constant 0 : i32
    return %arg0, %c0_i32 : i32, i32
  }
  func.func @transform_2(%arg0: i32) -> (i32, i32) {
    %c0_i32 = arith.constant 0 : i32
    %c0_i32_0 = arith.constant 0 : i32
    return %arg0, %c0_i32 : i32, i32
  }
  func.func @transform_3(%arg0: i32) -> (i32, i32) {
    %c0_i32 = arith.constant 0 : i32
    %c0_i32_0 = arith.constant 0 : i32
    %c0_i32_1 = arith.constant 0 : i32
    return %c0_i32, %c0_i32_0 : i32, i32
  }
  func.func @transform_4(%arg0: i32) -> (i32, i32) {
    %c0_i32 = arith.constant 0 : i32
    %c0_i32_0 = arith.constant 0 : i32
    %c0_i32_1 = arith.constant 0 : i32
    return %c0_i32, %c0_i32_0 : i32, i32
  }
  func.func @transform_5(%arg0: i32) -> (i32, i32) {
    %c0_i32 = arith.constant 0 : i32
    %c0_i32_0 = arith.constant 0 : i32
    %c0_i32_1 = arith.constant 0 : i32
    return %c0_i32, %c0_i32_0 : i32, i32
  }
  func.func @transform_6(%arg0: i32) -> (i32, i32) {
    %c0_i32 = arith.constant 0 : i32
    %c0_i32_0 = arith.constant 0 : i32
    %c0_i32_1 = arith.constant 0 : i32
    return %c0_i32, %c0_i32_0 : i32, i32
  }
  func.func @transform_7(%arg0: i32) -> (i32, i32) {
    %c0_i32 = arith.constant 0 : i32
    %c0_i32_0 = arith.constant 0 : i32
    return %arg0, %c0_i32 : i32, i32
  }
}

</mosaic_0001>

<sc_bundles>
// kernel: kernel.4.cloned.1.call-start
scs
__scs_entry_jumppad:
0x0: {  	(pc) =	sbr.rel $0x88, $3  }
0x1: {  	(tag) =	ssettag $0x0;
	lr =	simm.s32 $0x1  }
0x2: {  	[smem:$0x3F9A] =	sst lr;
	_ =	strace $0xD0000000  }
0x3: {  	_ = 	snop  }
0x4: {  	_ = 	snop  }
0x5: {  	_ = 	snop  }
0x6: {  	_ = 	snop  }
0x7: {  	_ = 	snop  }
__scs_overlays_trampoline_lowered:
0x8: {  	[smem:$0x3FA9] =	sst s0  }
0x9: {  	[smem:$0x3FAA] =	sst s1  }
0xa: {  	[smem:$0x3FAB] =	sst s2  }
0xb: {  	[smem:$0x3FAC] =	sst s3  }
0xc: {  	[smem:$0x3FAD] =	sst s4  }
0xd: {  	[smem:$0x3FAE] =	sst s5  }
0xe: {  	[smem:$0x3FAF] =	sst s6  }
0xf: {  	[smem:$0x3FB0] =	sst s7  }
0x10: {  	[smem:$0x3FB1] =	sst s8  }
0x11: {  	[smem:$0x3FB2] =	sst s9;
	s0 =	simm.s32 @!p0 $0x0  }
0x12: {  	s1 =	sld [smem:$0x3F98];
	s0 =	simm.s32 @p0 $0x1  }
0x13: {  	[smem:$0x3FB3] =	sst s0;
	s0 =	simm.s32 @!p1 $0x0  }
0x14: {  	s2 =	sld [smem:$0x3F97];
	s0 =	simm.s32 @p1 $0x1  }
0x15: {  	[smem:$0x3FB4] =	sst s0;
	s0 =	simm.s32 @!p2 $0x0  }
0x16: {  	s3 =	sld [smem:$0x3FDB];
	s0 =	simm.s32 @p2 $0x1  }
0x17: {  	s4 =	simm.s32 $0x1BF5;
	[smem:$0x3FB6] =	sst s0  }
0x18: {  	s0 =	sld [smem:$0x3F99];
	_ =	swait.ge [sflag:s4], $0x0  }
0x19: {  	s7 =	sld [smem:$0x3F9A]  }
0x1a: {  	s8 =	sadd.s32 $0xFFFFE003, lr  }
0x1b: {  	s9 =	sadd.s32 $0xFFFFFEF7, lr;
	s5 =	simm.s32 $0xFFFFFFFF;
	p2 =	slt.u32 s8, $0xFFFFF086  }
0x1c: {  	p1 =	slt.u32 s9, $0xF7A;
	s5 =	simm.s32 @!p2 $0x0  }
0x1d: {  	s5 =	simm.s32 @p1 $0x1;
	p0 =	seq.s32 s7, s2  }
0x1e: {  	s7 =	smul.u32 @!p0 $0xF7A, s2;
	p2 =	seq.s32 @!p0 s5, $0x0  }
0x1f: {  	s9 =	smul.u32 $0xF7A, s1;
	s8 =	simm.s32 @!p0 $0x1BF5;
	p2 =	por !p2, p0  }
0x20: {  	[sflag:s8] =	ssyncset.s32 @!p0 $0xFFFFF086;
	s6 =	sadd.s32 @!p0 s3, s7;
	s7 =	simm.s32 @!p0 $0x108  }
0x21: {  	s3 =	sadd.s32 s3, s9;
	s6 =	sadd.s32 @!p0 $0x88, s6;
	s7 =	simm.s32 @p2 $0x1082  }
0x22: {  	[simem:s7], [sflag:s8] =	dma.local @!p0 [hbm:s6], $0xF7A  }
0x23: {  	s9 =	sor.u32 $0xD0000000, s2;
	s6 =	simm.s32 $0x108;
	_ =	swait.ge @!p0 [sflag:s8], $0x0  }
0x24: {  	s3 =	sadd.s32 $0x88, s3;
	s6 =	simm.s32 @!p1 $0x1082;
	[sflag:s4] =	ssyncset.s32 $0xFFFFF086  }
0x25: {  	[simem:s6], [sflag:s4] =	dma.local [hbm:s3], $0xF7A  }
0x26: {  	[smem:$0x3F9A] =	sst s1;
	(tag) =	ssettag s2;
	_ =	strace s9  }
0x27: {  	s1 =	sld [smem:$0x3FAA]  }
0x28: {  	s2 =	sld [smem:$0x3FAB]  }
0x29: {  	s4 =	sld [smem:$0x3FAD]  }
0x2a: {  	p0 =	seq.s32 s5, $0x0;
	s5 =	sld [smem:$0x3FAE]  }
0x2b: {  	s6 =	sld [smem:$0x3FAF]  }
0x2c: {  	s7 =	sld [smem:$0x3FB0]  }
0x2d: {  	s3 =	simm.s32 $0x108;
	s8 =	sld [smem:$0x3FB1]  }
0x2e: {  	s3 =	simm.s32 @!p0 $0x1082;
	s9 =	sld [smem:$0x3FB2]  }
0x2f: {  	lr =	sadd.s32 s0, s3;
	s0 =	sld [smem:$0x3FA9]  }
0x30: {  	s3 =	sld [smem:$0x3FAC]  }
0x31: {  	[smem:$0x3FB5] =	sst s10  }
0x32: {  	s10 =	sld [smem:$0x3FB3];
	_ =	sdelay $0x3  }
0x33: {  	p0 =	seq.s32 s10, $0x1;
	s10 =	sld [smem:$0x3FB5];
	_ =	sdelay $0x3  }
0x34: {  	[smem:$0x3FB5] =	sst s10  }
0x35: {  	s10 =	sld [smem:$0x3FB4];
	_ =	sdelay $0x3  }
0x36: {  	p1 =	seq.s32 s10, $0x1;
	s10 =	sld [smem:$0x3FB5];
	_ =	sdelay $0x3  }
0x37: {  	[smem:$0x3FB5] =	sst s10  }
0x38: {  	s10 =	sld [smem:$0x3FB6]  }
0x39: {  	_ = 	snop;
	(pc) =	sbr.ind lr, $3  }
0x3a: {  	_ = 	snop  }
0x3b: {  	_ = 	snop  }
0x3c: {  	p2 =	seq.s32 s10, $0x1;
	s10 =	sld [smem:$0x3FB5]  }
0x3d: {  	_ =	shalt  }
0x3e: {  	_ =	shalt  }
0x3f: {  	_ =	shalt  }
0x40: {  	_ =	shalt  }
0x41: {  	_ =	shalt  }
0x42: {  	_ =	shalt  }
0x43: {  	_ =	shalt  }
0x44: {  	_ =	shalt  }
0x45: {  	_ =	shalt  }
0x46: {  	_ =	shalt  }
0x47: {  	_ =	shalt  }
0x48: {  	_ =	shalt  }
0x49: {  	_ =	shalt  }
0x4a: {  	_ =	shalt  }
0x4b: {  	_ =	shalt  }
0x4c: {  	_ =	shalt  }
0x4d: {  	_ =	shalt  }
0x4e: {  	_ =	shalt  }
0x4f: {  	_ =	shalt  }
0x50: {  	_ =	shalt  }
0x51: {  	_ =	shalt  }
0x52: {  	_ =	shalt  }
0x53: {  	_ =	shalt  }
0x54: {  	_ =	shalt  }
0x55: {  	_ =	shalt  }
0x56: {  	_ =	shalt  }
0x57: {  	_ =	shalt  }
0x58: {  	_ =	shalt  }
0x59: {  	_ =	shalt  }
0x5a: {  	_ =	shalt  }
0x5b: {  	_ =	shalt  }
0x5c: {  	_ =	shalt  }
0x5d: {  	_ =	shalt  }
0x5e: {  	_ =	shalt  }
0x5f: {  	_ =	shalt  }
0x60: {  	_ =	shalt  }
0x61: {  	_ =	shalt  }
0x62: {  	_ =	shalt  }
0x63: {  	_ =	shalt  }
0x64: {  	_ =	shalt  }
0x65: {  	_ =	shalt  }
0x66: {  	_ =	shalt  }
0x67: {  	_ =	shalt  }
0x68: {  	_ =	shalt  }
0x69: {  	_ =	shalt  }
0x6a: {  	_ =	shalt  }
0x6b: {  	_ =	shalt  }
0x6c: {  	_ =	shalt  }
0x6d: {  	_ =	shalt  }
0x6e: {  	_ =	shalt  }
0x6f: {  	_ =	shalt  }
0x70: {  	_ =	shalt  }
0x71: {  	_ =	shalt  }
0x72: {  	_ =	shalt  }
0x73: {  	_ =	shalt  }
0x74: {  	_ =	shalt  }
0x75: {  	_ =	shalt  }
0x76: {  	_ =	shalt  }
0x77: {  	_ =	shalt  }
0x78: {  	_ =	shalt  }
0x79: {  	_ =	shalt  }
0x7a: {  	_ =	shalt  }
0x7b: {  	_ =	shalt  }
0x7c: {  	_ =	shalt  }
0x7d: {  	_ =	shalt  }
0x7e: {  	_ =	shalt  }
0x7f: {  	_ =	shalt  }
0x80: {  	_ =	shalt  }
0x81: {  	_ =	shalt  }
0x82: {  	_ =	shalt  }
0x83: {  	_ =	shalt  }
0x84: {  	_ =	shalt  }
0x85: {  	_ =	shalt  }
0x86: {  	_ =	shalt  }
0x87: {  	_ =	shalt  }
.Lfunc_end0:
.L_simem_size_0:
called_computation_lowered:
.L_overlay_start_0:
0x88: {  	s2 =	sld [smem:$0x3FD9]  }
0x89: {  	s3 =	sld [smem:$0x3FFE];
	_ =	sdelay $0x1  }
0x8a: {  	s1 =	srdreg.scid  }
0x8b: {  	s0 =	sand.u32 $0x1, s1  }
0x8c: {  	s17 =	sshll.u32 s0, $0xA;
	s2 =	sadd.s32 s3, s2  }
0x8d: {  	s2 =	sadd.s32 s2, s17  }
0x8e: {  	[smem:$0x3FC1] =	sst s2  }
0x8f: {  	_ = 	snop  }
0x90: {  	s2 =	sld [smem:$0x3FD0];
	(tm) =	ssettm $0x1  }
0x91: {  	s18 =	sld [smem:$0x3FFB];
	_ =	sdelay $0x3  }
0x92: {  	_ =	strace s18  }
0x93: {  	s3 =	sld [smem:$0x3FFC];
	_ =	sdelay $0x3  }
0x94: {  	_ =	strace s3  }
0x95: {  	s3 =	sld [smem:$0x3FFD];
	_ =	sdelay $0x3  }
0x96: {  	_ =	strace s3  }
0x97: {  	_ =	strace $0x8FFFFFFF  }
0x98: {  	s19 =	sld [smem:$0x3FDB];
	_ =	sdelay $0x1  }
0x99: {  	s4 =	simm.s32 $_scs_section_size  }
0x9a: {  	s5 =	simm.s32 $_size__tile_overlayer_lowered;
	s6 =	simm.s32 $_tile_overlayer_lowered  }
0x9b: {  	s22 =	simm.s32 $0x1BFF;
	s21 =	sshll.u32 s6, $0x1;
	s3 =	sadd.s32 s4, s19  }
0x9c: {  	s7 =	simm.s32 $0x0;
	s20 =	sshll.u32 s5, $0x1;
	s5 =	sadd.s32 s21, s3  }
0x9d: {  	[timem:s7], [sflag:s22] =	dma.local [hbm:s5], s20  }
0x9e: {  	_ =	swait.ge [sflag:s22], s20  }
0x9f: {  	s4 =	ssub.s32 $0x0, s20;
	[sflag:s22] =	ssyncset.done $0x0  }
0xa0: {  	[sflag:s22] =	ssyncadd.s32 s4;
	_ =	sdelay $0x1  }
0xa1: {  	s23 =	simm.s32 $0x1B8B  }
0xa2: {  	_ =	swait.ge [sflag:s23], $0x1  }
0xa3: {  	[sflag:s23] =	ssyncset.done $0x0  }
0xa4: {  	s25 =	simm.s32 $0x1B8E;
	s24 =	sld [smem:$0x3FFE];
	[sflag:s23] =	ssyncadd.s32 $0xFFFFFFFF  }
0xa5: {  	s26 =	simm.s32 $execute0_lowered;
	[smem:$0x3FD2] =	sst s25  }
0xa6: {  	s5 =	sshll.u32 s26, $0x1;
	_ =	strace $0x80000046;
	[dreg:$0x1] =	wrdreg $0xFFFFFFFF  }
0xa7: {  	s28 =	simm.s32 $_size_execute0_lowered;
	s3 =	sadd.s32 s3, s5;
	[dreg:$0x0] =	wrdreg $0x0  }
0xa8: {  	s5 =	sshll.u32 s28, $0x1;
	[dreg:$0x2] =	wrdreg s3  }
0xa9: {  	[dreg:$0x3] =	wrdreg s5  }
0xaa: {  	[dreg:$0x4] =	wrdreg $0xC0  }
0xab: {  	_ =	task [dreg:s7], $0x5FFFF  }
0xac: {  	[dreg:$0x1] =	wrdreg $0xFFFFFFFF  }
0xad: {  	[dreg:$0x0] =	wrdreg $0x60  }
0xae: {  	[dreg:$0x2] =	wrdreg s2  }
0xaf: {  	[dreg:$0x3] =	wrdreg s24  }
0xb0: {  	[dreg:$0x4] =	wrdreg $0x0  }
0xb1: {  	[dreg:$0x5] =	wrdreg $0x9  }
0xb2: {  	_ =	task.clear_ibuf [dreg:s7], $0x6FFFF;
	_ =	strace $0x90000046  }
0xb3: {  	s29 =	simm.s32 $0x9;
	_ =	strace $0x80000048  }
0xb4: {  	_ =	swait.ge [sflag:s29], $0x1  }
0xb5: {  	[sflag:s29] =	ssyncadd.s32 $0xFFFFFFFF  }
0xb6: {  	_ =	strace $0x90000048  }
0xb7: {  	_ =	sfence  }
0xb8: {  	s30 =	sld [smem:$0x0];
	_ =	sdelay $0x2  }
0xb9: {  	s31 =	sshll.u32 s1, $0xD;
	s1 =	sshrl.u32 s1, $0x2  }
0xba: {  	s3 =	sand.u32 $0x4000, s31;
	s1 =	sadd.s32 s1, s30  }
0xbb: {  	s0 =	sor.u32 s3, s0;
	s1 =	sshll.u32 s1, $0x11  }
0xbc: {  	s0 =	sor.u32 s1, s0  }
0xbd: {  	s0 =	sadd.s32 $0x8F2B, s0  }
0xbe: {  	[sflag:s0] =	ssyncadd.remote.s32 $0x1  }
0xbf: {  	_ =	sfence.sel $0xFFFF  }
0xc0: {  	[dreg:$0x0] =	wrdreg $0xFFFFFFFF;
	(pc) =	sbr.abs _section_cstart, $3  }
0xc1: {  	[dreg:$0x1] =	wrdreg $0xFFFFFFFF  }
0xc2: {  	_ =	task.clear_ibuf [dreg:s7], $0x2FFFF;
	_ =	strace $0x9FFFFFFF  }
0xc3: {  	(tm) =	ssettm $0x7FFFFFFF  }
tec
execute0_lowered:
.L_overlay_start_1:
0x0: {  	(tag) =	ssettag $0x1  }
0x1: {  	s1 =	rddreg [dreg:$0x0]  }
0x2: {  	s9 =	rddreg [dreg:$0x1]  }
0x3: {  	s0 =	srdreg.scid;
	s3 =	rddreg [dreg:$0x2]  }
0x4: {  	s4 =	simm.s32 $0x0;
	s15 =	simm.s32 $0x60;
	s16 =	simm.s32 $0x19F80  }
0x5: {  	s17 =	simm.s32 $0x14060;
	s18 =	simm.s32 $0x1CF80;
	s19 =	simm.s32 $0x1  }
0x6: {  	s20 =	simm.s32 $0x2;
	s21 =	simm.s32 $0x19A80;
	s22 =	simm.s32 $0x16700  }
0x7: {  	s23 =	simm.s32 $0x19B00;
	s8 =	sand.u32 $0x1, s0;
	s0 =	stileid.u32  }
0x8: {  	s24 =	simm.s32 $0x19B80;
	s25 =	simm.s32 $0x0;
	s6 =	smul.u32 $0x700, s0  }
0x9: {  	[smem:$0x7FF] =	sst s4;
	s2 =	sshll.u32 s8, $0x4;
	s12 =	smul.u32 $0x50000, s0  }
0xa: {  	s10 =	ssub.s32 $0x2, s8;
	p0 =	seq.s32 s8, $0x1;
	s31 =	smul.u32 $0x2800, s0  }
0xb: {  	s13 =	sshll.u32 s0, $0x6;
	s5 =	sor.u32 s0, s2;
	s2 =	rddreg [dreg:$0x3]  }
0xc: {  	_ =	strace $0x80000047;
	s29 =	sshrl.u32 s10, $0x1;
	s5 =	smul.u32 $0x4EC, s5  }
0xd: {  	s13 =	sor.u32 $0x1C03, s13;
	s11 =	sadd.s32 s6, s9;
	s10 =	ssub.s32 s10, s29  }
0xe: {  	s30 =	sshrl.u32 s12, $0x2;
	s12 =	simm.s32 $0x16780;
	s7 =	sadd.s32 s5, s9  }
0xf: {  	s6 =	sadd.s32 $0x1200, s7;
	s7 =	sadd.s32 $0xB000, s11;
	s11 =	simm.s32 $0x3C800  }
0x10: {  	s14 =	sadd.s32 s30, s3;
	s8 =	smax.u32 s10, $0x1;
	s11 =	simm.s32 @!p0 $0x14800  }
0x11: {  	s10 =	simm.s32 $0x14000;
	s5 =	sadd.s32 $0x12000, s9;
	s9 =	sadd.s32 s11, s9  }
0x12: {  	s14 =	sshrl.u32 s14, $0x3;
	s11 =	simm.s32 $0x3;
	s9 =	sadd.s32 s9, s31  }
.LBB2_1:
0x13: {  	[tilespmem:s10], [sflag:$0x3] =	stream.linear.gather [hbm4b:s6+s4], $0x2760, $0x38;
	[tilespmem:$0x1FF80] =	vst v63  }
0x14: {  	_ =	swait.ge [sflag:s11], $0x2760  }
0x15: {  	[sflag:s11] =	ssyncset.done $0x0  }
0x16: {  	[sflag:s11] =	ssyncadd.s32 $0xFFFFD8A0  }
0x17: {  	[tilespmem:s12], [sflag:$0x3] =	stream.linear.gather [hbm4b:s7+s4], $0x3480, $0x38;
	[tilespmem:$0x1FF80] =	vst v63  }
0x18: {  	_ =	swait.ge [sflag:s11], $0x3480  }
0x19: {  	[sflag:s11] =	ssyncset.done $0x0  }
0x1a: {  	[sflag:s11] =	ssyncadd.s32 $0xFFFFCB80  }
0x1b: {  	[spmem:s14], [sflag:s13] =	dma.local [hbm:s5], $0x2800  }
0x1c: {  	_ =	swait.ge [sflag:s11], $0x2800  }
0x1d: {  	[sflag:s11] =	ssyncset.done $0x0  }
0x1e: {  	[sflag:s11] =	ssyncadd.s32 $0xFFFFD800  }
0x1f: {  	[bflag:$0x0] =	sbarrier.arrive $0xFFFF  }
0x20: {  	[tilespmem:s16], [sflag:$0x1] =	stream.indirect.gather [hbm4b:s1+s15], $0x80, s10, s15, $0xb8;
	[tilespmem:$0x1FF80] =	vst v63  }
0x21: {  	_ = 	snop  }
0x22: {  	[tilespmem:s18], [sflag:$0x2] =	stream.indirect.gather [hbm4b:s1+s15], $0x80, s17, s15, $0xb8;
	[tilespmem:$0x1FF80] =	vst v63  }
0x23: {  	_ =	swait.ge [sflag:s19], $0x3000  }
0x24: {  	[sflag:s19] =	ssyncset.done $0x0  }
0x25: {  	s26 =	simm.s32 $0x16780;
	[sflag:s19] =	ssyncadd.s32 $0xFFFFD000  }
0x26: {  	[spmem:s3] =	stream.indirect.scatter.add.f32 [tilespmem:s16], [sflag:$0x3], $0x80, s26, s15, $0xb8;
	[tilespmem:$0x1FF80] =	vst v63  }
0x27: {  	_ =	swait.ge [sflag:s11], $0x3000  }
0x28: {  	[sflag:s11] =	ssyncset.done $0x0  }
0x29: {  	s30 =	simm.s32 $0x140C0;
	[sflag:s11] =	ssyncadd.s32 $0xFFFFD000  }
0x2a: {  	[tilespmem:s16], [sflag:$0x1] =	stream.indirect.gather [hbm4b:s1+s15], $0x80, s30, s15, $0xb8;
	[tilespmem:$0x1FF80] =	vst v63  }
0x2b: {  	_ =	swait.ge [sflag:s20], $0x3000  }
0x2c: {  	[sflag:s20] =	ssyncset.done $0x0  }
0x2d: {  	s31 =	simm.s32 $0x16800;
	[sflag:s20] =	ssyncadd.s32 $0xFFFFD000  }
0x2e: {  	[spmem:s3] =	stream.indirect.scatter.add.f32 [tilespmem:s18], [sflag:$0x3], $0x80, s31, s15, $0xb8;
	[tilespmem:$0x1FF80] =	vst v63  }
0x2f: {  	_ =	swait.ge [sflag:s11], $0x3000  }
0x30: {  	s28 =	simm.s32 $0x400;
	[sflag:s11] =	ssyncset.done $0x0  }
0x31: {  	s29 =	simm.s32 $0x141E0;
	s26 =	simm.s32 $0x14120;
	[sflag:s11] =	ssyncadd.s32 $0xFFFFD000  }
.LBB2_2:
0x32: {  	[tilespmem:s18], [sflag:$0x2] =	stream.indirect.gather [hbm4b:s1+s15], $0x80, s26, s15, $0xb8;
	[tilespmem:$0x1FF80] =	vst v63  }
0x33: {  	s30 =	smov.u32 s28;
	s26 =	smov.u32 s29  }
0x34: {  	p0 =	sne.s32 s28, $0xC800;
	s28 =	sadd.s32 $0x400, s28;
	_ =	swait.ge [sflag:s19], $0x3000  }
0x35: {  	s30 =	sshra.s32 s30, $0x2;
	[sflag:s19] =	ssyncset.done $0x0  }
0x36: {  	s31 =	sadd.s32 $0x16780, s30;
	[sflag:s19] =	ssyncadd.s32 $0xFFFFD000  }
0x37: {  	[spmem:s3] =	stream.indirect.scatter.add.f32 [tilespmem:s16], [sflag:$0x3], $0x80, s31, s15, $0xb8;
	[tilespmem:$0x1FF80] =	vst v63  }
0x38: {  	_ =	swait.ge [sflag:s11], $0x3000  }
0x39: {  	[sflag:s11] =	ssyncset.done $0x0  }
0x3a: {  	s31 =	sadd.s32 $0xFFFFFFA0, s29;
	[sflag:s11] =	ssyncadd.s32 $0xFFFFD000  }
0x3b: {  	[tilespmem:s16], [sflag:$0x1] =	stream.indirect.gather [hbm4b:s1+s15], $0x80, s31, s15, $0xb8;
	[tilespmem:$0x1FF80] =	vst v63  }
0x3c: {  	_ =	swait.ge [sflag:s20], $0x3000  }
0x3d: {  	[sflag:s20] =	ssyncset.done $0x0  }
.Ltmp0:
0x3e: {  	s30 =	sadd.s32 $0x16800, s30;
	[sflag:s20] =	ssyncadd.s32 $0xFFFFD000;
	(pc) =	sbr.rel @p0 .LBB2_2-.Ltmp0, $4  }
0x3f: {  	[spmem:s3] =	stream.indirect.scatter.add.f32 [tilespmem:s18], [sflag:$0x3], $0x80, s30, s15, $0xb8;
	[tilespmem:$0x1FF80] =	vst v63  }
0x40: {  	_ =	swait.ge [sflag:s11], $0x3000  }
0x41: {  	[sflag:s11] =	ssyncset.done $0x0  }
0x42: {  	s29 =	sadd.s32 $0xC0, s29;
	[sflag:s11] =	ssyncadd.s32 $0xFFFFD000  }
0x43: {  	[tilespmem:s18], [sflag:$0x2] =	stream.indirect.gather [hbm4b:s1+s15], $0x80, s26, s15, $0xb8;
	[tilespmem:$0x1FF80] =	vst v63  }
0x44: {  	_ =	swait.ge [sflag:s19], $0x3000  }
0x45: {  	[sflag:s19] =	ssyncset.done $0x0  }
0x46: {  	[sflag:s19] =	ssyncadd.s32 $0xFFFFD000  }
0x47: {  	[spmem:s3] =	stream.indirect.scatter.add.f32 [tilespmem:s16], [sflag:$0x3], $0x80, s21, s15, $0xb8;
	[tilespmem:$0x1FF80] =	vst v63  }
0x48: {  	_ =	swait.ge [sflag:s11], $0x3000  }
0x49: {  	[sflag:s11] =	ssyncset.done $0x0  }
0x4a: {  	[sflag:s11] =	ssyncadd.s32 $0xFFFFD000  }
0x4b: {  	[tilespmem:s16], [sflag:$0x1] =	stream.indirect.gather [hbm4b:s1+s15], $0x80, s22, s15, $0xb8;
	[tilespmem:$0x1FF80] =	vst v63  }
0x4c: {  	_ =	swait.ge [sflag:s20], $0x3000  }
0x4d: {  	[sflag:s20] =	ssyncset.done $0x0  }
0x4e: {  	[sflag:s20] =	ssyncadd.s32 $0xFFFFD000  }
0x4f: {  	[spmem:s3] =	stream.indirect.scatter.add.f32 [tilespmem:s18], [sflag:$0x3], $0x80, s23, s15, $0xb8;
	[tilespmem:$0x1FF80] =	vst v63  }
0x50: {  	_ =	swait.ge [sflag:s11], $0x3000  }
0x51: {  	[sflag:s11] =	ssyncset.done $0x0  }
0x52: {  	[sflag:s11] =	ssyncadd.s32 $0xFFFFD000  }
0x53: {  	_ =	swait.ge [sflag:s19], $0x3000  }
0x54: {  	[sflag:s19] =	ssyncset.done $0x0  }
0x55: {  	[sflag:s19] =	ssyncadd.s32 $0xFFFFD000  }
0x56: {  	[spmem:s3] =	stream.indirect.scatter.add.f32 [tilespmem:s16], [sflag:$0x3], $0x80, s24, s15, $0xb8;
	[tilespmem:$0x1FF80] =	vst v63  }
0x57: {  	_ =	swait.ge [sflag:s11], $0x3000  }
0x58: {  	s25 =	sadd.s32 $0x1, s25;
	[sflag:s11] =	ssyncset.done $0x0  }
0x59: {  	p0 =	sne.s32 s25, s8;
	[sflag:s11] =	ssyncadd.s32 $0xFFFFD000  }
.Ltmp1:
0x5a: {  	[bflag:$0x0] =	sbarrier.arrive $0xFFFF;
	(pc) =	sbr.rel @p0 .LBB2_1-.Ltmp1, $4  }
0x5b: {  	[hbm:s9], [sflag:s13] =	dma.local [spmem:s14], $0x2800  }
0x5c: {  	_ =	swait.ge [sflag:s11], $0x2800  }
0x5d: {  	[sflag:s11] =	ssyncset.done $0x0  }
0x5e: {  	[sflag:s11] =	ssyncadd.s32 $0xFFFFD800  }
0x5f: {  	_ =	sfence.sel $0x180000  }
0x60: {  	[bflag:$0x0] =	sbarrier.arrive $0xFFFF  }
0x61: {  	p0 =	sne.s32 s0, $0x0;
	_ =	strace $0x90000047  }
0x62: {  	s0 =	sadd.s32 @!p0 $0x100000, s2;
	[bflag:$0x2] =	sbarrier.arrive $0xFFFF  }
0x63: {  	[sflag:s0] =	ssyncadd.tile.s32 @!p0 $0x1;
	_ =	shalt  }
.Lfunc_end2:
_tile_overlayer_lowered:
.L_overlay_start_2:
0x64: {  	(tag) =	ssettag $0x2  }
0x65: {  	s0 =	rddreg [dreg:$0x0];
	s2 =	stileid.u32  }
0x66: {  	s1 =	rddreg [dreg:$0x1];
	p0 =	sne.s32 s2, $0x0  }
0x67: {  	s3 =	rddreg [dreg:$0x2];
	[bflag:$0x3] =	sbarrier.arrive $0xFFFF;
	s2 =	simm.s32 @!p0 $0x1C03  }
0x68: {  	[timem:s3], [sflag:s2] =	dma.local @!p0 [hbm:s0], s1  }
0x69: {  	s0 =	simm.s32 @!p0 $0x3  }
0x6a: {  	_ =	swait.ge @!p0 [sflag:s0], s1  }
0x6b: {  	s1 =	ssub.s32 @!p0 $0x0, s1;
	[sflag:s0] =	ssyncset.done @!p0 $0x0  }
0x6c: {  	[sflag:s0] =	ssyncadd.s32 @!p0 s1  }
0x6d: {  	[bflag:$0x3] =	sbarrier.arrive $0xFFFF  }
0x6e: {  	_ =	shalt  }

</sc_bundles>
